<compile_context>
chip_gen: v7x
topology: tpu7x:2x2x1
jax: 0.10.2.dev20260603
libtpu: 0.0.44.dev20260713+nightly
codegen_flags: <defaults>
</compile_context>

<pallas_src>
import functools

import jax
import jax.numpy as jnp
from jax import lax
from jax.experimental import pallas as pl
from jax.experimental.pallas import tpu as pltpu
from jax.experimental.pallas import tpu_sc as plsc

VOCAB = 100000
DIM = 128
B = 1024
L = 200
TOTAL = B * L

NC = 2
NS = 16
NW = NC * NS
PER_W = TOTAL // NW
CH = 128
NCH = PER_W // CH


NBUF = 5


LOOKAHEAD = 3


def _sc_gather_body(ids_hbm, table_hbm, out_hbm, idx_v, *bufs_and_sems):
    bufs = bufs_and_sems[:NBUF]
    gsems = bufs_and_sems[NBUF : 2 * NBUF]
    wsems = bufs_and_sems[2 * NBUF :]
    wid = lax.axis_index("s") * NC + lax.axis_index("c")
    base = wid * PER_W

    pltpu.sync_copy(ids_hbm.at[wid], idx_v)

    def start_gather(ch, b):
        pltpu.async_copy(
            table_hbm.at[idx_v.at[pl.ds(ch * CH, CH)]], bufs[b], gsems[b]
        )

    def wait_gather(ch, b):
        pltpu.make_async_copy(
            table_hbm.at[idx_v.at[pl.ds(ch * CH, CH)]], bufs[b], gsems[b]
        ).wait()

    def start_write(ch, b):
        pltpu.async_copy(
            bufs[b], out_hbm.at[pl.ds(base + ch * CH, CH), :], wsems[b]
        )

    def wait_write(ch, b):
        pltpu.make_async_copy(
            bufs[b], out_hbm.at[pl.ds(base + ch * CH, CH), :], wsems[b]
        ).wait()

    for b in range(LOOKAHEAD):
        start_gather(b, b)

    for ch in range(NBUF - LOOKAHEAD):
        wait_gather(ch, ch % NBUF)
        start_write(ch, ch % NBUF)
        start_gather(ch + LOOKAHEAD, (ch + LOOKAHEAD) % NBUF)

    @pl.loop(NBUF - LOOKAHEAD, NCH - LOOKAHEAD, step=NBUF)
    def _(c):
        for k in range(NBUF):
            ch = c + k
            b = (NBUF - LOOKAHEAD + k) % NBUF
            bj = (NBUF + k) % NBUF
            wait_gather(ch, b)
            start_write(ch, b)
            wait_write(ch + LOOKAHEAD - NBUF, bj)
            start_gather(ch + LOOKAHEAD, bj)

    for ch in range(NCH - LOOKAHEAD, NCH):
        wait_gather(ch, ch % NBUF)
        start_write(ch, ch % NBUF)

    for ch in range(NCH - NBUF, NCH):
        wait_write(ch, ch % NBUF)


_sc_gather = pl.kernel(
    _sc_gather_body,
    out_type=jax.ShapeDtypeStruct((TOTAL, DIM), jnp.float32),
    mesh=plsc.VectorSubcoreMesh(core_axis_name="c", subcore_axis_name="s"),
    scratch_types=(
        [pltpu.VMEM((PER_W,), jnp.int32)]
        + [pltpu.VMEM((CH, DIM), jnp.float32) for _ in range(NBUF)]
        + [pltpu.SemaphoreType.DMA for _ in range(2 * NBUF)]
    ),
)


ROWS_BLK = 10000
GRID = VOCAB // ROWS_BLK


def _ln_body(x_ref, g_ref, b_ref, o_ref):
    x = x_ref[...]
    mean = jnp.mean(x, axis=-1, keepdims=True)
    xc = x - mean
    var = jnp.mean(xc * xc, axis=-1, keepdims=True)
    o_ref[...] = xc * lax.rsqrt(var + 1e-5) * g_ref[...] + b_ref[...]


def _tc_layernorm(rows, gamma, beta):
    return pl.pallas_call(
        _ln_body,
        grid=(GRID,),
        in_specs=[
            pl.BlockSpec((ROWS_BLK, DIM), lambda i: (i, 0)),
            pl.BlockSpec((1, DIM), lambda i: (0, 0)),
            pl.BlockSpec((1, DIM), lambda i: (0, 0)),
        ],
        out_specs=pl.BlockSpec((ROWS_BLK, DIM), lambda i: (i, 0)),
        out_shape=jax.ShapeDtypeStruct((VOCAB, DIM), jnp.float32),
    )(rows, gamma.reshape(1, DIM), beta.reshape(1, DIM))


def kernel(ids, table, gamma, beta):
    ids_rows = ids.reshape(NW, PER_W).astype(jnp.int32)
    normed = _tc_layernorm(table, gamma, beta)
    out = _sc_gather(ids_rows, normed)
    return out.reshape(B, L, DIM)

# --- scband reference (transcript-rebuilt; emitter-appended) ---
"""Pipeline reference for scband-embedding-module-54314156425426 (READ-ONLY COPY).

The authoritative reference and input builder live on the scoring server;
editing this copy changes nothing except your own understanding.
"""

import jax, jax.numpy as jnp
import numpy as np

VOCAB = 100000
DIM = 128
B = 1024
L = 200


def setup_inputs(seed: int = 0) -> dict:
    key = jax.random.key(seed)
    k1, k2 = jax.random.split(key)
    ids = jax.random.randint(k1, (B, L), 0, VOCAB)
    table = jax.random.normal(k2, (VOCAB, DIM), dtype=jnp.float32)
    gamma = jnp.ones((DIM,), dtype=jnp.float32)
    beta = jnp.zeros((DIM,), dtype=jnp.float32)
    return {"ids": ids, "table": table, "gamma": gamma, "beta": beta}


def reference(ids, table, gamma, beta):
    # nn.Embedding lookup (padding_idx only affects grads, not fwd values)
    emb = jnp.take(table, ids, axis=0)
    # nn.LayerNorm over last dim, eps=1e-5, elementwise_affine=True
    mean = jnp.mean(emb, axis=-1, keepdims=True)
    var = jnp.mean((emb - mean) ** 2, axis=-1, keepdims=True)
    normed = (emb - mean) / jnp.sqrt(var + 1e-5)
    out = normed * gamma + beta
    # dropout_emb = 0.0 -> no dropout branch taken
    return out

if __name__ == "__main__":
    import jax
    _d = setup_inputs()
    print(jax.jit(kernel)(*tuple(_d.values())))

</pallas_src>

<mosaic_0001>
#map = affine_map<(d0, d1) -> (0, 0)>
module attributes {stable_mosaic.version = 14 : i64} {
  func.func @_sc_gather_body(%arg0: i32, %arg1: i32, %arg2: memref<32x6400xi32, #tpu.memory_space<hbm>>, %arg3: memref<100000x128xf32, #tpu.memory_space<hbm>>, %arg4: memref<204800x128xf32, #tpu.memory_space<hbm>>, %arg5: memref<6400xi32, #tpu.memory_space<vmem>>, %arg6: memref<128x128xf32, #tpu.memory_space<vmem>>, %arg7: memref<128x128xf32, #tpu.memory_space<vmem>>, %arg8: memref<128x128xf32, #tpu.memory_space<vmem>>, %arg9: memref<128x128xf32, #tpu.memory_space<vmem>>, %arg10: memref<128x128xf32, #tpu.memory_space<vmem>>, %arg11: memref<!tpu.dma_semaphore, #tpu.memory_space<semaphore_mem>>, %arg12: memref<!tpu.dma_semaphore, #tpu.memory_space<semaphore_mem>>, %arg13: memref<!tpu.dma_semaphore, #tpu.memory_space<semaphore_mem>>, %arg14: memref<!tpu.dma_semaphore, #tpu.memory_space<semaphore_mem>>, %arg15: memref<!tpu.dma_semaphore, #tpu.memory_space<semaphore_mem>>, %arg16: memref<!tpu.dma_semaphore, #tpu.memory_space<semaphore_mem>>, %arg17: memref<!tpu.dma_semaphore, #tpu.memory_space<semaphore_mem>>, %arg18: memref<!tpu.dma_semaphore, #tpu.memory_space<semaphore_mem>>, %arg19: memref<!tpu.dma_semaphore, #tpu.memory_space<semaphore_mem>>, %arg20: memref<!tpu.dma_semaphore, #tpu.memory_space<semaphore_mem>>) attributes {dimension_semantics = [#tpu.dimension_semantics<core_parallel>, #tpu.dimension_semantics<subcore_parallel>], iteration_bounds = array<i64: 2, 16>, scalar_prefetch = 0 : i64, scratch_operands = 16 : i64, tpu.core_type = #tpu.core_type<sc_vector_subcore>, window_params = [{transform_indices = #map}, {transform_indices = #map}, {transform_indices = #map}]} {
    %mul3A = arith.constant 2 : i32
    %mul3A_0 = arith.muli %arg1, %mul3A : i32
    %add3A = arith.addi %mul3A_0, %arg0 : i32
    %mul3A_1 = arith.constant 6400 : i32
    %mul3A_2 = arith.muli %add3A, %mul3A_1 : i32
    "tpu.region"() ({
      %run_scoped3A = tpu.sem_alloc : memref<!tpu.dma_semaphore, #tpu.memory_space<semaphore_mem>>
      %dma_start3A_115 = arith.constant 0 : i32
      %dma_start3A_116 = tpu.memref_slice %arg2[%add3A, %dma_start3A_115] : memref<32x6400xi32, #tpu.memory_space<hbm>> -> memref<1x6400xi32, #tpu.memory_space<hbm>>
      %dma_start3A_117 = tpu.memref_squeeze %dma_start3A_116 : memref<1x6400xi32, #tpu.memory_space<hbm>> -> memref<6400xi32, #tpu.memory_space<hbm>>
      %dma_start3A_118 = arith.constant 0 : i32
      %dma_start3A_119 = tpu.memref_slice %arg2[%add3A, %dma_start3A_118] : memref<32x6400xi32, #tpu.memory_space<hbm>> -> memref<1x6400xi32, #tpu.memory_space<hbm>>
      %dma_start3A_120 = tpu.memref_squeeze %dma_start3A_119 : memref<1x6400xi32, #tpu.memory_space<hbm>> -> memref<6400xi32, #tpu.memory_space<hbm>>
      tpu.enqueue_dma source(%dma_start3A_120 : memref<6400xi32, #tpu.memory_space<hbm>>) target(%arg5 : memref<6400xi32, #tpu.memory_space<vmem>>) target_semaphore(%run_scoped3A : memref<!tpu.dma_semaphore, #tpu.memory_space<semaphore_mem>>)
      %dma_wait3A_121 = arith.constant 0 : i32
      %dma_wait3A_122 = tpu.memref_slice %arg2[%add3A, %dma_wait3A_121] : memref<32x6400xi32, #tpu.memory_space<hbm>> -> memref<1x6400xi32, #tpu.memory_space<hbm>>
      %dma_wait3A_123 = tpu.memref_squeeze %dma_wait3A_122 : memref<1x6400xi32, #tpu.memory_space<hbm>> -> memref<6400xi32, #tpu.memory_space<hbm>>
      %dma_wait3A_124 = arith.constant 0 : i32
      %dma_wait3A_125 = tpu.memref_slice %arg2[%add3A, %dma_wait3A_124] : memref<32x6400xi32, #tpu.memory_space<hbm>> -> memref<1x6400xi32, #tpu.memory_space<hbm>>
      %dma_wait3A_126 = tpu.memref_squeeze %dma_wait3A_125 : memref<1x6400xi32, #tpu.memory_space<hbm>> -> memref<6400xi32, #tpu.memory_space<hbm>>
      tpu.wait_dma2 semaphore(%run_scoped3A : memref<!tpu.dma_semaphore, #tpu.memory_space<semaphore_mem>>) src(%dma_wait3A_126 : memref<6400xi32, #tpu.memory_space<hbm>>) dst(%arg5 : memref<6400xi32, #tpu.memory_space<vmem>>)
      tpu.yield
    }) : () -> ()
    %dma_start3A = arith.constant 0 : i32
    %dma_start3A_3 = tpu.memref_slice %arg5[%dma_start3A] : memref<6400xi32, #tpu.memory_space<vmem>> -> memref<128xi32, #tpu.memory_space<vmem>>
    %dma_start3A_4 = arith.constant 0 : i32
    %dma_start3A_5 = arith.constant 0 : i32
    %dma_start3A_6 = tpu.memref_slice %arg3[%dma_start3A_4, %dma_start3A_5] : memref<100000x128xf32, #tpu.memory_space<hbm>> -> memref<100000x128xf32, #tpu.memory_space<hbm>>
    tpu.enqueue_indirect_dma source(%dma_start3A_6 : memref<100000x128xf32, #tpu.memory_space<hbm>>) target(%arg6 : memref<128x128xf32, #tpu.memory_space<vmem>>) offsets(%dma_start3A_3 : memref<128xi32, #tpu.memory_space<vmem>>) semaphore(%arg11 : memref<!tpu.dma_semaphore, #tpu.memory_space<semaphore_mem>>)
    %dma_start3A_7 = arith.constant 128 : i32
    %dma_start3A_8 = tpu.memref_slice %arg5[%dma_start3A_7] : memref<6400xi32, #tpu.memory_space<vmem>> -> memref<128xi32, #tpu.memory_space<vmem>>
    %dma_start3A_9 = arith.constant 0 : i32
    %dma_start3A_10 = arith.constant 0 : i32
    %dma_start3A_11 = tpu.memref_slice %arg3[%dma_start3A_9, %dma_start3A_10] : memref<100000x128xf32, #tpu.memory_space<hbm>> -> memref<100000x128xf32, #tpu.memory_space<hbm>>
    tpu.enqueue_indirect_dma source(%dma_start3A_11 : memref<100000x128xf32, #tpu.memory_space<hbm>>) target(%arg7 : memref<128x128xf32, #tpu.memory_space<vmem>>) offsets(%dma_start3A_8 : memref<128xi32, #tpu.memory_space<vmem>>) semaphore(%arg12 : memref<!tpu.dma_semaphore, #tpu.memory_space<semaphore_mem>>)
    %dma_start3A_12 = arith.constant 256 : i32
    %dma_start3A_13 = tpu.memref_slice %arg5[%dma_start3A_12] : memref<6400xi32, #tpu.memory_space<vmem>> -> memref<128xi32, #tpu.memory_space<vmem>>
    %dma_start3A_14 = arith.constant 0 : i32
    %dma_start3A_15 = arith.constant 0 : i32
    %dma_start3A_16 = tpu.memref_slice %arg3[%dma_start3A_14, %dma_start3A_15] : memref<100000x128xf32, #tpu.memory_space<hbm>> -> memref<100000x128xf32, #tpu.memory_space<hbm>>
    tpu.enqueue_indirect_dma source(%dma_start3A_16 : memref<100000x128xf32, #tpu.memory_space<hbm>>) target(%arg8 : memref<128x128xf32, #tpu.memory_space<vmem>>) offsets(%dma_start3A_13 : memref<128xi32, #tpu.memory_space<vmem>>) semaphore(%arg13 : memref<!tpu.dma_semaphore, #tpu.memory_space<semaphore_mem>>)
    %dma_wait3A = arith.constant 0 : i32
    %dma_wait3A_17 = tpu.memref_slice %arg5[%dma_wait3A] : memref<6400xi32, #tpu.memory_space<vmem>> -> memref<128xi32, #tpu.memory_space<vmem>>
    %dma_wait3A_18 = arith.constant 0 : i32
    %dma_wait3A_19 = arith.constant 0 : i32
    %dma_wait3A_20 = tpu.memref_slice %arg3[%dma_wait3A_18, %dma_wait3A_19] : memref<100000x128xf32, #tpu.memory_space<hbm>> -> memref<100000x128xf32, #tpu.memory_space<hbm>>
    tpu.wait_indirect_dma semaphore(%arg11 : memref<!tpu.dma_semaphore, #tpu.memory_space<semaphore_mem>>) src(%dma_wait3A_20 : memref<100000x128xf32, #tpu.memory_space<hbm>>) dst(%arg6 : memref<128x128xf32, #tpu.memory_space<vmem>>)
    %add3A_21 = arith.constant 0 : i32
    %add3A_22 = arith.addi %mul3A_2, %add3A_21 : i32
    %dma_start3A_23 = arith.constant 0 : i32
    %dma_start3A_24 = tpu.memref_slice %arg4[%add3A_22, %dma_start3A_23] : memref<204800x128xf32, #tpu.memory_space<hbm>> -> memref<128x128xf32, #tpu.memory_space<hbm>>
    %dma_start3A_25 = arith.constant 0 : i32
    %dma_start3A_26 = tpu.memref_slice %arg4[%add3A_22, %dma_start3A_25] : memref<204800x128xf32, #tpu.memory_space<hbm>> -> memref<128x128xf32, #tpu.memory_space<hbm>>
    tpu.enqueue_dma source(%arg6 : memref<128x128xf32, #tpu.memory_space<vmem>>) target(%dma_start3A_26 : memref<128x128xf32, #tpu.memory_space<hbm>>) target_semaphore(%arg16 : memref<!tpu.dma_semaphore, #tpu.memory_space<semaphore_mem>>)
    %dma_start3A_27 = arith.constant 384 : i32
    %dma_start3A_28 = tpu.memref_slice %arg5[%dma_start3A_27] : memref<6400xi32, #tpu.memory_space<vmem>> -> memref<128xi32, #tpu.memory_space<vmem>>
    %dma_start3A_29 = arith.constant 0 : i32
    %dma_start3A_30 = arith.constant 0 : i32
    %dma_start3A_31 = tpu.memref_slice %arg3[%dma_start3A_29, %dma_start3A_30] : memref<100000x128xf32, #tpu.memory_space<hbm>> -> memref<100000x128xf32, #tpu.memory_space<hbm>>
    tpu.enqueue_indirect_dma source(%dma_start3A_31 : memref<100000x128xf32, #tpu.memory_space<hbm>>) target(%arg9 : memref<128x128xf32, #tpu.memory_space<vmem>>) offsets(%dma_start3A_28 : memref<128xi32, #tpu.memory_space<vmem>>) semaphore(%arg14 : memref<!tpu.dma_semaphore, #tpu.memory_space<semaphore_mem>>)
    %dma_wait3A_32 = arith.constant 128 : i32
    %dma_wait3A_33 = tpu.memref_slice %arg5[%dma_wait3A_32] : memref<6400xi32, #tpu.memory_space<vmem>> -> memref<128xi32, #tpu.memory_space<vmem>>
    %dma_wait3A_34 = arith.constant 0 : i32
    %dma_wait3A_35 = arith.constant 0 : i32
    %dma_wait3A_36 = tpu.memref_slice %arg3[%dma_wait3A_34, %dma_wait3A_35] : memref<100000x128xf32, #tpu.memory_space<hbm>> -> memref<100000x128xf32, #tpu.memory_space<hbm>>
    tpu.wait_indirect_dma semaphore(%arg12 : memref<!tpu.dma_semaphore, #tpu.memory_space<semaphore_mem>>) src(%dma_wait3A_36 : memref<100000x128xf32, #tpu.memory_space<hbm>>) dst(%arg7 : memref<128x128xf32, #tpu.memory_space<vmem>>)
    %add3A_37 = arith.constant 128 : i32
    %add3A_38 = arith.addi %mul3A_2, %add3A_37 : i32
    %dma_start3A_39 = arith.constant 0 : i32
    %dma_start3A_40 = tpu.memref_slice %arg4[%add3A_38, %dma_start3A_39] : memref<204800x128xf32, #tpu.memory_space<hbm>> -> memref<128x128xf32, #tpu.memory_space<hbm>>
    %dma_start3A_41 = arith.constant 0 : i32
    %dma_start3A_42 = tpu.memref_slice %arg4[%add3A_38, %dma_start3A_41] : memref<204800x128xf32, #tpu.memory_space<hbm>> -> memref<128x128xf32, #tpu.memory_space<hbm>>
    tpu.enqueue_dma source(%arg7 : memref<128x128xf32, #tpu.memory_space<vmem>>) target(%dma_start3A_42 : memref<128x128xf32, #tpu.memory_space<hbm>>) target_semaphore(%arg17 : memref<!tpu.dma_semaphore, #tpu.memory_space<semaphore_mem>>)
    %dma_start3A_43 = arith.constant 512 : i32
    %dma_start3A_44 = tpu.memref_slice %arg5[%dma_start3A_43] : memref<6400xi32, #tpu.memory_space<vmem>> -> memref<128xi32, #tpu.memory_space<vmem>>
    %dma_start3A_45 = arith.constant 0 : i32
    %dma_start3A_46 = arith.constant 0 : i32
    %dma_start3A_47 = tpu.memref_slice %arg3[%dma_start3A_45, %dma_start3A_46] : memref<100000x128xf32, #tpu.memory_space<hbm>> -> memref<100000x128xf32, #tpu.memory_space<hbm>>
    tpu.enqueue_indirect_dma source(%dma_start3A_47 : memref<100000x128xf32, #tpu.memory_space<hbm>>) target(%arg10 : memref<128x128xf32, #tpu.memory_space<vmem>>) offsets(%dma_start3A_44 : memref<128xi32, #tpu.memory_space<vmem>>) semaphore(%arg15 : memref<!tpu.dma_semaphore, #tpu.memory_space<semaphore_mem>>)
    %scan3A = arith.constant 0 : i32
    %scan3A_48 = arith.constant 9 : i32
    %scan3A_49 = arith.addi %scan3A, %scan3A_48 : i32
    %scan3A_50 = arith.constant 1 : i32
    scf.for %scan3A_115 = %scan3A to %scan3A_49 step %scan3A_50  : i32 {
      %mul3A_116 = arith.constant 5 : i32
      %mul3A_117 = arith.muli %scan3A_115, %mul3A_116 : i32
      %add3A_118 = arith.constant 2 : i32
      %add3A_119 = arith.addi %add3A_118, %mul3A_117 : i32
      %add3A_120 = arith.constant 0 : i32
      %add3A_121 = arith.addi %add3A_119, %add3A_120 : i32
      %mul3A_122 = arith.constant 128 : i32
      %mul3A_123 = arith.muli %add3A_121, %mul3A_122 : i32
      %dma_wait3A_124 = tpu.memref_slice %arg5[%mul3A_123] : memref<6400xi32, #tpu.memory_space<vmem>> -> memref<128xi32, #tpu.memory_space<vmem>>
      %dma_wait3A_125 = arith.constant 0 : i32
      %dma_wait3A_126 = arith.constant 0 : i32
      %dma_wait3A_127 = tpu.memref_slice %arg3[%dma_wait3A_125, %dma_wait3A_126] : memref<100000x128xf32, #tpu.memory_space<hbm>> -> memref<100000x128xf32, #tpu.memory_space<hbm>>
      tpu.wait_indirect_dma semaphore(%arg13 : memref<!tpu.dma_semaphore, #tpu.memory_space<semaphore_mem>>) src(%dma_wait3A_127 : memref<100000x128xf32, #tpu.memory_space<hbm>>) dst(%arg8 : memref<128x128xf32, #tpu.memory_space<vmem>>)
      %mul3A_128 = arith.constant 128 : i32
      %mul3A_129 = arith.muli %add3A_121, %mul3A_128 : i32
      %add3A_130 = arith.addi %mul3A_2, %mul3A_129 : i32
      %dma_start3A_131 = arith.constant 0 : i32
      %dma_start3A_132 = tpu.memref_slice %arg4[%add3A_130, %dma_start3A_131] : memref<204800x128xf32, #tpu.memory_space<hbm>> -> memref<128x128xf32, #tpu.memory_space<hbm>>
      %dma_start3A_133 = arith.constant 0 : i32
      %dma_start3A_134 = tpu.memref_slice %arg4[%add3A_130, %dma_start3A_133] : memref<204800x128xf32, #tpu.memory_space<hbm>> -> memref<128x128xf32, #tpu.memory_space<hbm>>
      tpu.enqueue_dma source(%arg8 : memref<128x128xf32, #tpu.memory_space<vmem>>) target(%dma_start3A_134 : memref<128x128xf32, #tpu.memory_space<hbm>>) target_semaphore(%arg18 : memref<!tpu.dma_semaphore, #tpu.memory_space<semaphore_mem>>)
      %add3A_135 = arith.constant 3 : i32
      %add3A_136 = arith.addi %add3A_121, %add3A_135 : i32
      %sub3A = arith.constant 5 : i32
      %sub3A_137 = arith.subi %add3A_136, %sub3A : i32
      %mul3A_138 = arith.constant 128 : i32
      %mul3A_139 = arith.muli %sub3A_137, %mul3A_138 : i32
      %add3A_140 = arith.addi %mul3A_2, %mul3A_139 : i32
      %dma_wait3A_141 = arith.constant 0 : i32
      %dma_wait3A_142 = tpu.memref_slice %arg4[%add3A_140, %dma_wait3A_141] : memref<204800x128xf32, #tpu.memory_space<hbm>> -> memref<128x128xf32, #tpu.memory_space<hbm>>
      %dma_wait3A_143 = arith.constant 0 : i32
      %dma_wait3A_144 = tpu.memref_slice %arg4[%add3A_140, %dma_wait3A_143] : memref<204800x128xf32, #tpu.memory_space<hbm>> -> memref<128x128xf32, #tpu.memory_space<hbm>>
      tpu.wait_dma2 semaphore(%arg16 : memref<!tpu.dma_semaphore, #tpu.memory_space<semaphore_mem>>) src(%arg6 : memref<128x128xf32, #tpu.memory_space<vmem>>) dst(%dma_wait3A_144 : memref<128x128xf32, #tpu.memory_space<hbm>>)
      %add3A_145 = arith.constant 3 : i32
      %add3A_146 = arith.addi %add3A_121, %add3A_145 : i32
      %mul3A_147 = arith.constant 128 : i32
      %mul3A_148 = arith.muli %add3A_146, %mul3A_147 : i32
      %dma_start3A_149 = tpu.memref_slice %arg5[%mul3A_148] : memref<6400xi32, #tpu.memory_space<vmem>> -> memref<128xi32, #tpu.memory_space<vmem>>
      %dma_start3A_150 = arith.constant 0 : i32
      %dma_start3A_151 = arith.constant 0 : i32
      %dma_start3A_152 = tpu.memref_slice %arg3[%dma_start3A_150, %dma_start3A_151] : memref<100000x128xf32, #tpu.memory_space<hbm>> -> memref<100000x128xf32, #tpu.memory_space<hbm>>
      tpu.enqueue_indirect_dma source(%dma_start3A_152 : memref<100000x128xf32, #tpu.memory_space<hbm>>) target(%arg6 : memref<128x128xf32, #tpu.memory_space<vmem>>) offsets(%dma_start3A_149 : memref<128xi32, #tpu.memory_space<vmem>>) semaphore(%arg11 : memref<!tpu.dma_semaphore, #tpu.memory_space<semaphore_mem>>)
      %add3A_153 = arith.constant 1 : i32
      %add3A_154 = arith.addi %add3A_119, %add3A_153 : i32
      %mul3A_155 = arith.constant 128 : i32
      %mul3A_156 = arith.muli %add3A_154, %mul3A_155 : i32
      %dma_wait3A_157 = tpu.memref_slice %arg5[%mul3A_156] : memref<6400xi32, #tpu.memory_space<vmem>> -> memref<128xi32, #tpu.memory_space<vmem>>
      %dma_wait3A_158 = arith.constant 0 : i32
      %dma_wait3A_159 = arith.constant 0 : i32
      %dma_wait3A_160 = tpu.memref_slice %arg3[%dma_wait3A_158, %dma_wait3A_159] : memref<100000x128xf32, #tpu.memory_space<hbm>> -> memref<100000x128xf32, #tpu.memory_space<hbm>>
      tpu.wait_indirect_dma semaphore(%arg14 : memref<!tpu.dma_semaphore, #tpu.memory_space<semaphore_mem>>) src(%dma_wait3A_160 : memref<100000x128xf32, #tpu.memory_space<hbm>>) dst(%arg9 : memref<128x128xf32, #tpu.memory_space<vmem>>)
      %mul3A_161 = arith.constant 128 : i32
      %mul3A_162 = arith.muli %add3A_154, %mul3A_161 : i32
      %add3A_163 = arith.addi %mul3A_2, %mul3A_162 : i32
      %dma_start3A_164 = arith.constant 0 : i32
      %dma_start3A_165 = tpu.memref_slice %arg4[%add3A_163, %dma_start3A_164] : memref<204800x128xf32, #tpu.memory_space<hbm>> -> memref<128x128xf32, #tpu.memory_space<hbm>>
      %dma_start3A_166 = arith.constant 0 : i32
      %dma_start3A_167 = tpu.memref_slice %arg4[%add3A_163, %dma_start3A_166] : memref<204800x128xf32, #tpu.memory_space<hbm>> -> memref<128x128xf32, #tpu.memory_space<hbm>>
      tpu.enqueue_dma source(%arg9 : memref<128x128xf32, #tpu.memory_space<vmem>>) target(%dma_start3A_167 : memref<128x128xf32, #tpu.memory_space<hbm>>) target_semaphore(%arg19 : memref<!tpu.dma_semaphore, #tpu.memory_space<semaphore_mem>>)
      %add3A_168 = arith.constant 3 : i32
      %add3A_169 = arith.addi %add3A_154, %add3A_168 : i32
      %sub3A_170 = arith.constant 5 : i32
      %sub3A_171 = arith.subi %add3A_169, %sub3A_170 : i32
      %mul3A_172 = arith.constant 128 : i32
      %mul3A_173 = arith.muli %sub3A_171, %mul3A_172 : i32
      %add3A_174 = arith.addi %mul3A_2, %mul3A_173 : i32
      %dma_wait3A_175 = arith.constant 0 : i32
      %dma_wait3A_176 = tpu.memref_slice %arg4[%add3A_174, %dma_wait3A_175] : memref<204800x128xf32, #tpu.memory_space<hbm>> -> memref<128x128xf32, #tpu.memory_space<hbm>>
      %dma_wait3A_177 = arith.constant 0 : i32
      %dma_wait3A_178 = tpu.memref_slice %arg4[%add3A_174, %dma_wait3A_177] : memref<204800x128xf32, #tpu.memory_space<hbm>> -> memref<128x128xf32, #tpu.memory_space<hbm>>
      tpu.wait_dma2 semaphore(%arg17 : memref<!tpu.dma_semaphore, #tpu.memory_space<semaphore_mem>>) src(%arg7 : memref<128x128xf32, #tpu.memory_space<vmem>>) dst(%dma_wait3A_178 : memref<128x128xf32, #tpu.memory_space<hbm>>)
      %add3A_179 = arith.constant 3 : i32
      %add3A_180 = arith.addi %add3A_154, %add3A_179 : i32
      %mul3A_181 = arith.constant 128 : i32
      %mul3A_182 = arith.muli %add3A_180, %mul3A_181 : i32
      %dma_start3A_183 = tpu.memref_slice %arg5[%mul3A_182] : memref<6400xi32, #tpu.memory_space<vmem>> -> memref<128xi32, #tpu.memory_space<vmem>>
      %dma_start3A_184 = arith.constant 0 : i32
      %dma_start3A_185 = arith.constant 0 : i32
      %dma_start3A_186 = tpu.memref_slice %arg3[%dma_start3A_184, %dma_start3A_185] : memref<100000x128xf32, #tpu.memory_space<hbm>> -> memref<100000x128xf32, #tpu.memory_space<hbm>>
      tpu.enqueue_indirect_dma source(%dma_start3A_186 : memref<100000x128xf32, #tpu.memory_space<hbm>>) target(%arg7 : memref<128x128xf32, #tpu.memory_space<vmem>>) offsets(%dma_start3A_183 : memref<128xi32, #tpu.memory_space<vmem>>) semaphore(%arg12 : memref<!tpu.dma_semaphore, #tpu.memory_space<semaphore_mem>>)
      %add3A_187 = arith.constant 2 : i32
      %add3A_188 = arith.addi %add3A_119, %add3A_187 : i32
      %mul3A_189 = arith.constant 128 : i32
      %mul3A_190 = arith.muli %add3A_188, %mul3A_189 : i32
      %dma_wait3A_191 = tpu.memref_slice %arg5[%mul3A_190] : memref<6400xi32, #tpu.memory_space<vmem>> -> memref<128xi32, #tpu.memory_space<vmem>>
      %dma_wait3A_192 = arith.constant 0 : i32
      %dma_wait3A_193 = arith.constant 0 : i32
      %dma_wait3A_194 = tpu.memref_slice %arg3[%dma_wait3A_192, %dma_wait3A_193] : memref<100000x128xf32, #tpu.memory_space<hbm>> -> memref<100000x128xf32, #tpu.memory_space<hbm>>
      tpu.wait_indirect_dma semaphore(%arg15 : memref<!tpu.dma_semaphore, #tpu.memory_space<semaphore_mem>>) src(%dma_wait3A_194 : memref<100000x128xf32, #tpu.memory_space<hbm>>) dst(%arg10 : memref<128x128xf32, #tpu.memory_space<vmem>>)
      %mul3A_195 = arith.constant 128 : i32
      %mul3A_196 = arith.muli %add3A_188, %mul3A_195 : i32
      %add3A_197 = arith.addi %mul3A_2, %mul3A_196 : i32
      %dma_start3A_198 = arith.constant 0 : i32
      %dma_start3A_199 = tpu.memref_slice %arg4[%add3A_197, %dma_start3A_198] : memref<204800x128xf32, #tpu.memory_space<hbm>> -> memref<128x128xf32, #tpu.memory_space<hbm>>
      %dma_start3A_200 = arith.constant 0 : i32
      %dma_start3A_201 = tpu.memref_slice %arg4[%add3A_197, %dma_start3A_200] : memref<204800x128xf32, #tpu.memory_space<hbm>> -> memref<128x128xf32, #tpu.memory_space<hbm>>
      tpu.enqueue_dma source(%arg10 : memref<128x128xf32, #tpu.memory_space<vmem>>) target(%dma_start3A_201 : memref<128x128xf32, #tpu.memory_space<hbm>>) target_semaphore(%arg20 : memref<!tpu.dma_semaphore, #tpu.memory_space<semaphore_mem>>)
      %add3A_202 = arith.constant 3 : i32
      %add3A_203 = arith.addi %add3A_188, %add3A_202 : i32
      %sub3A_204 = arith.constant 5 : i32
      %sub3A_205 = arith.subi %add3A_203, %sub3A_204 : i32
      %mul3A_206 = arith.constant 128 : i32
      %mul3A_207 = arith.muli %sub3A_205, %mul3A_206 : i32
      %add3A_208 = arith.addi %mul3A_2, %mul3A_207 : i32
      %dma_wait3A_209 = arith.constant 0 : i32
      %dma_wait3A_210 = tpu.memref_slice %arg4[%add3A_208, %dma_wait3A_209] : memref<204800x128xf32, #tpu.memory_space<hbm>> -> memref<128x128xf32, #tpu.memory_space<hbm>>
      %dma_wait3A_211 = arith.constant 0 : i32
      %dma_wait3A_212 = tpu.memref_slice %arg4[%add3A_208, %dma_wait3A_211] : memref<204800x128xf32, #tpu.memory_space<hbm>> -> memref<128x128xf32, #tpu.memory_space<hbm>>
      tpu.wait_dma2 semaphore(%arg18 : memref<!tpu.dma_semaphore, #tpu.memory_space<semaphore_mem>>) src(%arg8 : memref<128x128xf32, #tpu.memory_space<vmem>>) dst(%dma_wait3A_212 : memref<128x128xf32, #tpu.memory_space<hbm>>)
      %add3A_213 = arith.constant 3 : i32
      %add3A_214 = arith.addi %add3A_188, %add3A_213 : i32
      %mul3A_215 = arith.constant 128 : i32
      %mul3A_216 = arith.muli %add3A_214, %mul3A_215 : i32
      %dma_start3A_217 = tpu.memref_slice %arg5[%mul3A_216] : memref<6400xi32, #tpu.memory_space<vmem>> -> memref<128xi32, #tpu.memory_space<vmem>>
      %dma_start3A_218 = arith.constant 0 : i32
      %dma_start3A_219 = arith.constant 0 : i32
      %dma_start3A_220 = tpu.memref_slice %arg3[%dma_start3A_218, %dma_start3A_219] : memref<100000x128xf32, #tpu.memory_space<hbm>> -> memref<100000x128xf32, #tpu.memory_space<hbm>>
      tpu.enqueue_indirect_dma source(%dma_start3A_220 : memref<100000x128xf32, #tpu.memory_space<hbm>>) target(%arg8 : memref<128x128xf32, #tpu.memory_space<vmem>>) offsets(%dma_start3A_217 : memref<128xi32, #tpu.memory_space<vmem>>) semaphore(%arg13 : memref<!tpu.dma_semaphore, #tpu.memory_space<semaphore_mem>>)
      %add3A_221 = arith.constant 3 : i32
      %add3A_222 = arith.addi %add3A_119, %add3A_221 : i32
      %mul3A_223 = arith.constant 128 : i32
      %mul3A_224 = arith.muli %add3A_222, %mul3A_223 : i32
      %dma_wait3A_225 = tpu.memref_slice %arg5[%mul3A_224] : memref<6400xi32, #tpu.memory_space<vmem>> -> memref<128xi32, #tpu.memory_space<vmem>>
      %dma_wait3A_226 = arith.constant 0 : i32
      %dma_wait3A_227 = arith.constant 0 : i32
      %dma_wait3A_228 = tpu.memref_slice %arg3[%dma_wait3A_226, %dma_wait3A_227] : memref<100000x128xf32, #tpu.memory_space<hbm>> -> memref<100000x128xf32, #tpu.memory_space<hbm>>
      tpu.wait_indirect_dma semaphore(%arg11 : memref<!tpu.dma_semaphore, #tpu.memory_space<semaphore_mem>>) src(%dma_wait3A_228 : memref<100000x128xf32, #tpu.memory_space<hbm>>) dst(%arg6 : memref<128x128xf32, #tpu.memory_space<vmem>>)
      %mul3A_229 = arith.constant 128 : i32
      %mul3A_230 = arith.muli %add3A_222, %mul3A_229 : i32
      %add3A_231 = arith.addi %mul3A_2, %mul3A_230 : i32
      %dma_start3A_232 = arith.constant 0 : i32
      %dma_start3A_233 = tpu.memref_slice %arg4[%add3A_231, %dma_start3A_232] : memref<204800x128xf32, #tpu.memory_space<hbm>> -> memref<128x128xf32, #tpu.memory_space<hbm>>
      %dma_start3A_234 = arith.constant 0 : i32
      %dma_start3A_235 = tpu.memref_slice %arg4[%add3A_231, %dma_start3A_234] : memref<204800x128xf32, #tpu.memory_space<hbm>> -> memref<128x128xf32, #tpu.memory_space<hbm>>
      tpu.enqueue_dma source(%arg6 : memref<128x128xf32, #tpu.memory_space<vmem>>) target(%dma_start3A_235 : memref<128x128xf32, #tpu.memory_space<hbm>>) target_semaphore(%arg16 : memref<!tpu.dma_semaphore, #tpu.memory_space<semaphore_mem>>)
      %add3A_236 = arith.constant 3 : i32
      %add3A_237 = arith.addi %add3A_222, %add3A_236 : i32
      %sub3A_238 = arith.constant 5 : i32
      %sub3A_239 = arith.subi %add3A_237, %sub3A_238 : i32
      %mul3A_240 = arith.constant 128 : i32
      %mul3A_241 = arith.muli %sub3A_239, %mul3A_240 : i32
      %add3A_242 = arith.addi %mul3A_2, %mul3A_241 : i32
      %dma_wait3A_243 = arith.constant 0 : i32
      %dma_wait3A_244 = tpu.memref_slice %arg4[%add3A_242, %dma_wait3A_243] : memref<204800x128xf32, #tpu.memory_space<hbm>> -> memref<128x128xf32, #tpu.memory_space<hbm>>
      %dma_wait3A_245 = arith.constant 0 : i32
      %dma_wait3A_246 = tpu.memref_slice %arg4[%add3A_242, %dma_wait3A_245] : memref<204800x128xf32, #tpu.memory_space<hbm>> -> memref<128x128xf32, #tpu.memory_space<hbm>>
      tpu.wait_dma2 semaphore(%arg19 : memref<!tpu.dma_semaphore, #tpu.memory_space<semaphore_mem>>) src(%arg9 : memref<128x128xf32, #tpu.memory_space<vmem>>) dst(%dma_wait3A_246 : memref<128x128xf32, #tpu.memory_space<hbm>>)
      %add3A_247 = arith.constant 3 : i32
      %add3A_248 = arith.addi %add3A_222, %add3A_247 : i32
      %mul3A_249 = arith.constant 128 : i32
      %mul3A_250 = arith.muli %add3A_248, %mul3A_249 : i32
      %dma_start3A_251 = tpu.memref_slice %arg5[%mul3A_250] : memref<6400xi32, #tpu.memory_space<vmem>> -> memref<128xi32, #tpu.memory_space<vmem>>
      %dma_start3A_252 = arith.constant 0 : i32
      %dma_start3A_253 = arith.constant 0 : i32
      %dma_start3A_254 = tpu.memref_slice %arg3[%dma_start3A_252, %dma_start3A_253] : memref<100000x128xf32, #tpu.memory_space<hbm>> -> memref<100000x128xf32, #tpu.memory_space<hbm>>
      tpu.enqueue_indirect_dma source(%dma_start3A_254 : memref<100000x128xf32, #tpu.memory_space<hbm>>) target(%arg9 : memref<128x128xf32, #tpu.memory_space<vmem>>) offsets(%dma_start3A_251 : memref<128xi32, #tpu.memory_space<vmem>>) semaphore(%arg14 : memref<!tpu.dma_semaphore, #tpu.memory_space<semaphore_mem>>)
      %add3A_255 = arith.constant 4 : i32
      %add3A_256 = arith.addi %add3A_119, %add3A_255 : i32
      %mul3A_257 = arith.constant 128 : i32
      %mul3A_258 = arith.muli %add3A_256, %mul3A_257 : i32
      %dma_wait3A_259 = tpu.memref_slice %arg5[%mul3A_258] : memref<6400xi32, #tpu.memory_space<vmem>> -> memref<128xi32, #tpu.memory_space<vmem>>
      %dma_wait3A_260 = arith.constant 0 : i32
      %dma_wait3A_261 = arith.constant 0 : i32
      %dma_wait3A_262 = tpu.memref_slice %arg3[%dma_wait3A_260, %dma_wait3A_261] : memref<100000x128xf32, #tpu.memory_space<hbm>> -> memref<100000x128xf32, #tpu.memory_space<hbm>>
      tpu.wait_indirect_dma semaphore(%arg12 : memref<!tpu.dma_semaphore, #tpu.memory_space<semaphore_mem>>) src(%dma_wait3A_262 : memref<100000x128xf32, #tpu.memory_space<hbm>>) dst(%arg7 : memref<128x128xf32, #tpu.memory_space<vmem>>)
      %mul3A_263 = arith.constant 128 : i32
      %mul3A_264 = arith.muli %add3A_256, %mul3A_263 : i32
      %add3A_265 = arith.addi %mul3A_2, %mul3A_264 : i32
      %dma_start3A_266 = arith.constant 0 : i32
      %dma_start3A_267 = tpu.memref_slice %arg4[%add3A_265, %dma_start3A_266] : memref<204800x128xf32, #tpu.memory_space<hbm>> -> memref<128x128xf32, #tpu.memory_space<hbm>>
      %dma_start3A_268 = arith.constant 0 : i32
      %dma_start3A_269 = tpu.memref_slice %arg4[%add3A_265, %dma_start3A_268] : memref<204800x128xf32, #tpu.memory_space<hbm>> -> memref<128x128xf32, #tpu.memory_space<hbm>>
      tpu.enqueue_dma source(%arg7 : memref<128x128xf32, #tpu.memory_space<vmem>>) target(%dma_start3A_269 : memref<128x128xf32, #tpu.memory_space<hbm>>) target_semaphore(%arg17 : memref<!tpu.dma_semaphore, #tpu.memory_space<semaphore_mem>>)
      %add3A_270 = arith.constant 3 : i32
      %add3A_271 = arith.addi %add3A_256, %add3A_270 : i32
      %sub3A_272 = arith.constant 5 : i32
      %sub3A_273 = arith.subi %add3A_271, %sub3A_272 : i32
      %mul3A_274 = arith.constant 128 : i32
      %mul3A_275 = arith.muli %sub3A_273, %mul3A_274 : i32
      %add3A_276 = arith.addi %mul3A_2, %mul3A_275 : i32
      %dma_wait3A_277 = arith.constant 0 : i32
      %dma_wait3A_278 = tpu.memref_slice %arg4[%add3A_276, %dma_wait3A_277] : memref<204800x128xf32, #tpu.memory_space<hbm>> -> memref<128x128xf32, #tpu.memory_space<hbm>>
      %dma_wait3A_279 = arith.constant 0 : i32
      %dma_wait3A_280 = tpu.memref_slice %arg4[%add3A_276, %dma_wait3A_279] : memref<204800x128xf32, #tpu.memory_space<hbm>> -> memref<128x128xf32, #tpu.memory_space<hbm>>
      tpu.wait_dma2 semaphore(%arg20 : memref<!tpu.dma_semaphore, #tpu.memory_space<semaphore_mem>>) src(%arg10 : memref<128x128xf32, #tpu.memory_space<vmem>>) dst(%dma_wait3A_280 : memref<128x128xf32, #tpu.memory_space<hbm>>)
      %add3A_281 = arith.constant 3 : i32
      %add3A_282 = arith.addi %add3A_256, %add3A_281 : i32
      %mul3A_283 = arith.constant 128 : i32
      %mul3A_284 = arith.muli %add3A_282, %mul3A_283 : i32
      %dma_start3A_285 = tpu.memref_slice %arg5[%mul3A_284] : memref<6400xi32, #tpu.memory_space<vmem>> -> memref<128xi32, #tpu.memory_space<vmem>>
      %dma_start3A_286 = arith.constant 0 : i32
      %dma_start3A_287 = arith.constant 0 : i32
      %dma_start3A_288 = tpu.memref_slice %arg3[%dma_start3A_286, %dma_start3A_287] : memref<100000x128xf32, #tpu.memory_space<hbm>> -> memref<100000x128xf32, #tpu.memory_space<hbm>>
      tpu.enqueue_indirect_dma source(%dma_start3A_288 : memref<100000x128xf32, #tpu.memory_space<hbm>>) target(%arg10 : memref<128x128xf32, #tpu.memory_space<vmem>>) offsets(%dma_start3A_285 : memref<128xi32, #tpu.memory_space<vmem>>) semaphore(%arg15 : memref<!tpu.dma_semaphore, #tpu.memory_space<semaphore_mem>>)
    }
    %scan3A_51 = arith.constant 9 : i32
    %dma_wait3A_52 = arith.constant 6016 : i32
    %dma_wait3A_53 = tpu.memref_slice %arg5[%dma_wait3A_52] : memref<6400xi32, #tpu.memory_space<vmem>> -> memref<128xi32, #tpu.memory_space<vmem>>
    %dma_wait3A_54 = arith.constant 0 : i32
    %dma_wait3A_55 = arith.constant 0 : i32
    %dma_wait3A_56 = tpu.memref_slice %arg3[%dma_wait3A_54, %dma_wait3A_55] : memref<100000x128xf32, #tpu.memory_space<hbm>> -> memref<100000x128xf32, #tpu.memory_space<hbm>>
    tpu.wait_indirect_dma semaphore(%arg13 : memref<!tpu.dma_semaphore, #tpu.memory_space<semaphore_mem>>) src(%dma_wait3A_56 : memref<100000x128xf32, #tpu.memory_space<hbm>>) dst(%arg8 : memref<128x128xf32, #tpu.memory_space<vmem>>)
    %add3A_57 = arith.constant 6016 : i32
    %add3A_58 = arith.addi %mul3A_2, %add3A_57 : i32
    %dma_start3A_59 = arith.constant 0 : i32
    %dma_start3A_60 = tpu.memref_slice %arg4[%add3A_58, %dma_start3A_59] : memref<204800x128xf32, #tpu.memory_space<hbm>> -> memref<128x128xf32, #tpu.memory_space<hbm>>
    %dma_start3A_61 = arith.constant 0 : i32
    %dma_start3A_62 = tpu.memref_slice %arg4[%add3A_58, %dma_start3A_61] : memref<204800x128xf32, #tpu.memory_space<hbm>> -> memref<128x128xf32, #tpu.memory_space<hbm>>
    tpu.enqueue_dma source(%arg8 : memref<128x128xf32, #tpu.memory_space<vmem>>) target(%dma_start3A_62 : memref<128x128xf32, #tpu.memory_space<hbm>>) target_semaphore(%arg18 : memref<!tpu.dma_semaphore, #tpu.memory_space<semaphore_mem>>)
    %dma_wait3A_63 = arith.constant 6144 : i32
    %dma_wait3A_64 = tpu.memref_slice %arg5[%dma_wait3A_63] : memref<6400xi32, #tpu.memory_space<vmem>> -> memref<128xi32, #tpu.memory_space<vmem>>
    %dma_wait3A_65 = arith.constant 0 : i32
    %dma_wait3A_66 = arith.constant 0 : i32
    %dma_wait3A_67 = tpu.memref_slice %arg3[%dma_wait3A_65, %dma_wait3A_66] : memref<100000x128xf32, #tpu.memory_space<hbm>> -> memref<100000x128xf32, #tpu.memory_space<hbm>>
    tpu.wait_indirect_dma semaphore(%arg14 : memref<!tpu.dma_semaphore, #tpu.memory_space<semaphore_mem>>) src(%dma_wait3A_67 : memref<100000x128xf32, #tpu.memory_space<hbm>>) dst(%arg9 : memref<128x128xf32, #tpu.memory_space<vmem>>)
    %add3A_68 = arith.constant 6144 : i32
    %add3A_69 = arith.addi %mul3A_2, %add3A_68 : i32
    %dma_start3A_70 = arith.constant 0 : i32
    %dma_start3A_71 = tpu.memref_slice %arg4[%add3A_69, %dma_start3A_70] : memref<204800x128xf32, #tpu.memory_space<hbm>> -> memref<128x128xf32, #tpu.memory_space<hbm>>
    %dma_start3A_72 = arith.constant 0 : i32
    %dma_start3A_73 = tpu.memref_slice %arg4[%add3A_69, %dma_start3A_72] : memref<204800x128xf32, #tpu.memory_space<hbm>> -> memref<128x128xf32, #tpu.memory_space<hbm>>
    tpu.enqueue_dma source(%arg9 : memref<128x128xf32, #tpu.memory_space<vmem>>) target(%dma_start3A_73 : memref<128x128xf32, #tpu.memory_space<hbm>>) target_semaphore(%arg19 : memref<!tpu.dma_semaphore, #tpu.memory_space<semaphore_mem>>)
    %dma_wait3A_74 = arith.constant 6272 : i32
    %dma_wait3A_75 = tpu.memref_slice %arg5[%dma_wait3A_74] : memref<6400xi32, #tpu.memory_space<vmem>> -> memref<128xi32, #tpu.memory_space<vmem>>
    %dma_wait3A_76 = arith.constant 0 : i32
    %dma_wait3A_77 = arith.constant 0 : i32
    %dma_wait3A_78 = tpu.memref_slice %arg3[%dma_wait3A_76, %dma_wait3A_77] : memref<100000x128xf32, #tpu.memory_space<hbm>> -> memref<100000x128xf32, #tpu.memory_space<hbm>>
    tpu.wait_indirect_dma semaphore(%arg15 : memref<!tpu.dma_semaphore, #tpu.memory_space<semaphore_mem>>) src(%dma_wait3A_78 : memref<100000x128xf32, #tpu.memory_space<hbm>>) dst(%arg10 : memref<128x128xf32, #tpu.memory_space<vmem>>)
    %add3A_79 = arith.constant 6272 : i32
    %add3A_80 = arith.addi %mul3A_2, %add3A_79 : i32
    %dma_start3A_81 = arith.constant 0 : i32
    %dma_start3A_82 = tpu.memref_slice %arg4[%add3A_80, %dma_start3A_81] : memref<204800x128xf32, #tpu.memory_space<hbm>> -> memref<128x128xf32, #tpu.memory_space<hbm>>
    %dma_start3A_83 = arith.constant 0 : i32
    %dma_start3A_84 = tpu.memref_slice %arg4[%add3A_80, %dma_start3A_83] : memref<204800x128xf32, #tpu.memory_space<hbm>> -> memref<128x128xf32, #tpu.memory_space<hbm>>
    tpu.enqueue_dma source(%arg10 : memref<128x128xf32, #tpu.memory_space<vmem>>) target(%dma_start3A_84 : memref<128x128xf32, #tpu.memory_space<hbm>>) target_semaphore(%arg20 : memref<!tpu.dma_semaphore, #tpu.memory_space<semaphore_mem>>)
    %add3A_85 = arith.constant 5760 : i32
    %add3A_86 = arith.addi %mul3A_2, %add3A_85 : i32
    %dma_wait3A_87 = arith.constant 0 : i32
    %dma_wait3A_88 = tpu.memref_slice %arg4[%add3A_86, %dma_wait3A_87] : memref<204800x128xf32, #tpu.memory_space<hbm>> -> memref<128x128xf32, #tpu.memory_space<hbm>>
    %dma_wait3A_89 = arith.constant 0 : i32
    %dma_wait3A_90 = tpu.memref_slice %arg4[%add3A_86, %dma_wait3A_89] : memref<204800x128xf32, #tpu.memory_space<hbm>> -> memref<128x128xf32, #tpu.memory_space<hbm>>
    tpu.wait_dma2 semaphore(%arg16 : memref<!tpu.dma_semaphore, #tpu.memory_space<semaphore_mem>>) src(%arg6 : memref<128x128xf32, #tpu.memory_space<vmem>>) dst(%dma_wait3A_90 : memref<128x128xf32, #tpu.memory_space<hbm>>)
    %add3A_91 = arith.constant 5888 : i32
    %add3A_92 = arith.addi %mul3A_2, %add3A_91 : i32
    %dma_wait3A_93 = arith.constant 0 : i32
    %dma_wait3A_94 = tpu.memref_slice %arg4[%add3A_92, %dma_wait3A_93] : memref<204800x128xf32, #tpu.memory_space<hbm>> -> memref<128x128xf32, #tpu.memory_space<hbm>>
    %dma_wait3A_95 = arith.constant 0 : i32
    %dma_wait3A_96 = tpu.memref_slice %arg4[%add3A_92, %dma_wait3A_95] : memref<204800x128xf32, #tpu.memory_space<hbm>> -> memref<128x128xf32, #tpu.memory_space<hbm>>
    tpu.wait_dma2 semaphore(%arg17 : memref<!tpu.dma_semaphore, #tpu.memory_space<semaphore_mem>>) src(%arg7 : memref<128x128xf32, #tpu.memory_space<vmem>>) dst(%dma_wait3A_96 : memref<128x128xf32, #tpu.memory_space<hbm>>)
    %add3A_97 = arith.constant 6016 : i32
    %add3A_98 = arith.addi %mul3A_2, %add3A_97 : i32
    %dma_wait3A_99 = arith.constant 0 : i32
    %dma_wait3A_100 = tpu.memref_slice %arg4[%add3A_98, %dma_wait3A_99] : memref<204800x128xf32, #tpu.memory_space<hbm>> -> memref<128x128xf32, #tpu.memory_space<hbm>>
    %dma_wait3A_101 = arith.constant 0 : i32
    %dma_wait3A_102 = tpu.memref_slice %arg4[%add3A_98, %dma_wait3A_101] : memref<204800x128xf32, #tpu.memory_space<hbm>> -> memref<128x128xf32, #tpu.memory_space<hbm>>
    tpu.wait_dma2 semaphore(%arg18 : memref<!tpu.dma_semaphore, #tpu.memory_space<semaphore_mem>>) src(%arg8 : memref<128x128xf32, #tpu.memory_space<vmem>>) dst(%dma_wait3A_102 : memref<128x128xf32, #tpu.memory_space<hbm>>)
    %add3A_103 = arith.constant 6144 : i32
    %add3A_104 = arith.addi %mul3A_2, %add3A_103 : i32
    %dma_wait3A_105 = arith.constant 0 : i32
    %dma_wait3A_106 = tpu.memref_slice %arg4[%add3A_104, %dma_wait3A_105] : memref<204800x128xf32, #tpu.memory_space<hbm>> -> memref<128x128xf32, #tpu.memory_space<hbm>>
    %dma_wait3A_107 = arith.constant 0 : i32
    %dma_wait3A_108 = tpu.memref_slice %arg4[%add3A_104, %dma_wait3A_107] : memref<204800x128xf32, #tpu.memory_space<hbm>> -> memref<128x128xf32, #tpu.memory_space<hbm>>
    tpu.wait_dma2 semaphore(%arg19 : memref<!tpu.dma_semaphore, #tpu.memory_space<semaphore_mem>>) src(%arg9 : memref<128x128xf32, #tpu.memory_space<vmem>>) dst(%dma_wait3A_108 : memref<128x128xf32, #tpu.memory_space<hbm>>)
    %add3A_109 = arith.constant 6272 : i32
    %add3A_110 = arith.addi %mul3A_2, %add3A_109 : i32
    %dma_wait3A_111 = arith.constant 0 : i32
    %dma_wait3A_112 = tpu.memref_slice %arg4[%add3A_110, %dma_wait3A_111] : memref<204800x128xf32, #tpu.memory_space<hbm>> -> memref<128x128xf32, #tpu.memory_space<hbm>>
    %dma_wait3A_113 = arith.constant 0 : i32
    %dma_wait3A_114 = tpu.memref_slice %arg4[%add3A_110, %dma_wait3A_113] : memref<204800x128xf32, #tpu.memory_space<hbm>> -> memref<128x128xf32, #tpu.memory_space<hbm>>
    tpu.wait_dma2 semaphore(%arg20 : memref<!tpu.dma_semaphore, #tpu.memory_space<semaphore_mem>>) src(%arg10 : memref<128x128xf32, #tpu.memory_space<vmem>>) dst(%dma_wait3A_114 : memref<128x128xf32, #tpu.memory_space<hbm>>)
    return
  }
}

module attributes {stable_mosaic.version = 14 : i64} {
  func.func @_ln_body(%arg0: i32, %arg1: memref<10000x128xf32, #tpu.memory_space<vmem>>, %arg2: memref<1x128xf32, #tpu.memory_space<vmem>>, %arg3: memref<1x128xf32, #tpu.memory_space<vmem>>, %arg4: memref<10000x128xf32, #tpu.memory_space<vmem>>) attributes {dimension_semantics = [#tpu.dimension_semantics<arbitrary>], iteration_bounds = array<i64: 10>, scalar_prefetch = 0 : i64, scratch_operands = 0 : i64, tpu.core_type = #tpu.core_type<tc>, window_params = [{transform_indices = @transform_0, window_bounds = array<i64: 10000, 128>}, {pipeline_mode = #tpu.pipeline_mode<synchronous>, transform_indices = @transform_1, window_bounds = array<i64: 1, 128>}, {pipeline_mode = #tpu.pipeline_mode<synchronous>, transform_indices = @transform_2, window_bounds = array<i64: 1, 128>}, {transform_indices = @transform_3, window_bounds = array<i64: 10000, 128>}]} {
    %get3A = arith.constant 0 : index
    %get3A_0 = arith.constant 0 : index
    %get3A_1 = vector.load %arg1[%get3A, %get3A_0] : memref<10000x128xf32, #tpu.memory_space<vmem>>, vector<10000x128xf32>
    %reduce_sum3A = arith.constant dense<0.000000e+00> : vector<10000xf32>
    %reduce_sum3A_2 = vector.multi_reduction <add>, %get3A_1, %reduce_sum3A [1] : vector<10000x128xf32> to vector<10000xf32>
    %broadcast_in_dim3A = vector.shape_cast %reduce_sum3A_2 : vector<10000xf32> to vector<10000x1xf32>
    %div3A = arith.constant 1.280000e+02 : f32
    %div3A_3 = vector.broadcast %div3A : f32 to vector<10000x1xf32>
    %div3A_4 = arith.divf %broadcast_in_dim3A, %div3A_3 : vector<10000x1xf32>
    %sub3A = vector.broadcast %div3A_4 : vector<10000x1xf32> to vector<10000x128xf32>
    %sub3A_5 = arith.subf %get3A_1, %sub3A : vector<10000x128xf32>
    %mul3A = arith.mulf %sub3A_5, %sub3A_5 : vector<10000x128xf32>
    %reduce_sum3A_6 = arith.constant dense<0.000000e+00> : vector<10000xf32>
    %reduce_sum3A_7 = vector.multi_reduction <add>, %mul3A, %reduce_sum3A_6 [1] : vector<10000x128xf32> to vector<10000xf32>
    %broadcast_in_dim3A_8 = vector.shape_cast %reduce_sum3A_7 : vector<10000xf32> to vector<10000x1xf32>
    %div3A_9 = arith.constant 1.280000e+02 : f32
    %div3A_10 = vector.broadcast %div3A_9 : f32 to vector<10000x1xf32>
    %div3A_11 = arith.divf %broadcast_in_dim3A_8, %div3A_10 : vector<10000x1xf32>
    %add3A = arith.constant 9.99999974E-6 : f32
    %add3A_12 = vector.broadcast %add3A : f32 to vector<10000x1xf32>
    %add3A_13 = arith.addf %div3A_11, %add3A_12 : vector<10000x1xf32>
    %rsqrt3A = math.rsqrt %add3A_13 : vector<10000x1xf32>
    %mul3A_14 = vector.broadcast %rsqrt3A : vector<10000x1xf32> to vector<10000x128xf32>
    %mul3A_15 = arith.mulf %sub3A_5, %mul3A_14 : vector<10000x128xf32>
    %get3A_16 = arith.constant 0 : index
    %get3A_17 = arith.constant 0 : index
    %get3A_18 = vector.load %arg2[%get3A_16, %get3A_17] : memref<1x128xf32, #tpu.memory_space<vmem>>, vector<1x128xf32>
    %mul3A_19 = vector.broadcast %get3A_18 : vector<1x128xf32> to vector<10000x128xf32>
    %mul3A_20 = arith.mulf %mul3A_15, %mul3A_19 : vector<10000x128xf32>
    %get3A_21 = arith.constant 0 : index
    %get3A_22 = arith.constant 0 : index
    %get3A_23 = vector.load %arg3[%get3A_21, %get3A_22] : memref<1x128xf32, #tpu.memory_space<vmem>>, vector<1x128xf32>
    %add3A_24 = vector.broadcast %get3A_23 : vector<1x128xf32> to vector<10000x128xf32>
    %add3A_25 = arith.addf %mul3A_20, %add3A_24 : vector<10000x128xf32>
    %swap3A = arith.constant 0 : index
    %swap3A_26 = arith.constant 0 : index
    %swap3A_27 = vector.load %arg4[%swap3A, %swap3A_26] : memref<10000x128xf32, #tpu.memory_space<vmem>>, vector<10000x128xf32>
    tpu.vector_store %arg4[%swap3A, %swap3A_26], %add3A_25 {strides = array<i32>} : memref<10000x128xf32, #tpu.memory_space<vmem>>, vector<10000x128xf32>,
    return
  }
  func.func @transform_0(%arg0: i32) -> (i32, i32) {
    %c0_i32 = arith.constant 0 : i32
    %c0_i32_0 = arith.constant 0 : i32
    return %arg0, %c0_i32 : i32, i32
  }
  func.func @transform_1(%arg0: i32) -> (i32, i32) {
    %c0_i32 = arith.constant 0 : i32
    %c0_i32_0 = arith.constant 0 : i32
    %c0_i32_1 = arith.constant 0 : i32
    return %c0_i32, %c0_i32_0 : i32, i32
  }
  func.func @transform_2(%arg0: i32) -> (i32, i32) {
    %c0_i32 = arith.constant 0 : i32
    %c0_i32_0 = arith.constant 0 : i32
    %c0_i32_1 = arith.constant 0 : i32
    return %c0_i32, %c0_i32_0 : i32, i32
  }
  func.func @transform_3(%arg0: i32) -> (i32, i32) {
    %c0_i32 = arith.constant 0 : i32
    %c0_i32_0 = arith.constant 0 : i32
    return %arg0, %c0_i32 : i32, i32
  }
}

</mosaic_0001>

<sc_bundles>
// kernel: kernel.4.cloned.1.call-start
scs
__scs_entry_jumppad:
0x0: {  	(pc) =	sbr.rel $0x88, $3  }
0x1: {  	(tag) =	ssettag $0x0;
	lr =	simm.s32 $0x1  }
0x2: {  	[smem:$0x3F9D] =	sst lr;
	_ =	strace $0xD0000000  }
0x3: {  	_ = 	snop  }
0x4: {  	_ = 	snop  }
0x5: {  	_ = 	snop  }
0x6: {  	_ = 	snop  }
0x7: {  	_ = 	snop  }
__scs_overlays_trampoline_lowered:
0x8: {  	[smem:$0x3FAC] =	sst s0  }
0x9: {  	[smem:$0x3FAD] =	sst s1  }
0xa: {  	[smem:$0x3FAE] =	sst s2  }
0xb: {  	[smem:$0x3FAF] =	sst s3  }
0xc: {  	[smem:$0x3FB0] =	sst s4  }
0xd: {  	[smem:$0x3FB1] =	sst s5  }
0xe: {  	[smem:$0x3FB2] =	sst s6  }
0xf: {  	[smem:$0x3FB3] =	sst s7  }
0x10: {  	[smem:$0x3FB4] =	sst s8  }
0x11: {  	[smem:$0x3FB5] =	sst s9;
	s0 =	simm.s32 @!p0 $0x0  }
0x12: {  	s1 =	sld [smem:$0x3F9B];
	s0 =	simm.s32 @p0 $0x1  }
0x13: {  	[smem:$0x3FB6] =	sst s0;
	s0 =	simm.s32 @!p1 $0x0  }
0x14: {  	s2 =	sld [smem:$0x3F9A];
	s0 =	simm.s32 @p1 $0x1  }
0x15: {  	[smem:$0x3FB7] =	sst s0;
	s0 =	simm.s32 @!p2 $0x0  }
0x16: {  	s3 =	sld [smem:$0x3FDB];
	s0 =	simm.s32 @p2 $0x1  }
0x17: {  	s4 =	simm.s32 $0x1BF5;
	[smem:$0x3FB9] =	sst s0  }
0x18: {  	s0 =	sld [smem:$0x3F9C];
	_ =	swait.ge [sflag:s4], $0x0  }
0x19: {  	s7 =	sld [smem:$0x3F9D]  }
0x1a: {  	s8 =	sadd.s32 $0xFFFFE003, lr  }
0x1b: {  	s9 =	sadd.s32 $0xFFFFFEF7, lr;
	s5 =	simm.s32 $0xFFFFFFFF;
	p2 =	slt.u32 s8, $0xFFFFF086  }
0x1c: {  	p1 =	slt.u32 s9, $0xF7A;
	s5 =	simm.s32 @!p2 $0x0  }
0x1d: {  	s5 =	simm.s32 @p1 $0x1;
	p0 =	seq.s32 s7, s2  }
0x1e: {  	s7 =	smul.u32 @!p0 $0xF7A, s2;
	p2 =	seq.s32 @!p0 s5, $0x0  }
0x1f: {  	s9 =	smul.u32 $0xF7A, s1;
	s8 =	simm.s32 @!p0 $0x1BF5;
	p2 =	por !p2, p0  }
0x20: {  	[sflag:s8] =	ssyncset.s32 @!p0 $0xFFFFF086;
	s6 =	sadd.s32 @!p0 s3, s7;
	s7 =	simm.s32 @!p0 $0x108  }
0x21: {  	s3 =	sadd.s32 s3, s9;
	s6 =	sadd.s32 @!p0 $0x88, s6;
	s7 =	simm.s32 @p2 $0x1082  }
0x22: {  	[simem:s7], [sflag:s8] =	dma.local @!p0 [hbm:s6], $0xF7A  }
0x23: {  	s9 =	sor.u32 $0xD0000000, s2;
	s6 =	simm.s32 $0x108;
	_ =	swait.ge @!p0 [sflag:s8], $0x0  }
0x24: {  	s3 =	sadd.s32 $0x88, s3;
	s6 =	simm.s32 @!p1 $0x1082;
	[sflag:s4] =	ssyncset.s32 $0xFFFFF086  }
0x25: {  	[simem:s6], [sflag:s4] =	dma.local [hbm:s3], $0xF7A  }
0x26: {  	[smem:$0x3F9D] =	sst s1;
	(tag) =	ssettag s2;
	_ =	strace s9  }
0x27: {  	s1 =	sld [smem:$0x3FAD]  }
0x28: {  	s2 =	sld [smem:$0x3FAE]  }
0x29: {  	s4 =	sld [smem:$0x3FB0]  }
0x2a: {  	p0 =	seq.s32 s5, $0x0;
	s5 =	sld [smem:$0x3FB1]  }
0x2b: {  	s6 =	sld [smem:$0x3FB2]  }
0x2c: {  	s7 =	sld [smem:$0x3FB3]  }
0x2d: {  	s3 =	simm.s32 $0x108;
	s8 =	sld [smem:$0x3FB4]  }
0x2e: {  	s3 =	simm.s32 @!p0 $0x1082;
	s9 =	sld [smem:$0x3FB5]  }
0x2f: {  	lr =	sadd.s32 s0, s3;
	s0 =	sld [smem:$0x3FAC]  }
0x30: {  	s3 =	sld [smem:$0x3FAF]  }
0x31: {  	[smem:$0x3FB8] =	sst s10  }
0x32: {  	s10 =	sld [smem:$0x3FB6];
	_ =	sdelay $0x3  }
0x33: {  	p0 =	seq.s32 s10, $0x1;
	s10 =	sld [smem:$0x3FB8];
	_ =	sdelay $0x3  }
0x34: {  	[smem:$0x3FB8] =	sst s10  }
0x35: {  	s10 =	sld [smem:$0x3FB7];
	_ =	sdelay $0x3  }
0x36: {  	p1 =	seq.s32 s10, $0x1;
	s10 =	sld [smem:$0x3FB8];
	_ =	sdelay $0x3  }
0x37: {  	[smem:$0x3FB8] =	sst s10  }
0x38: {  	s10 =	sld [smem:$0x3FB9]  }
0x39: {  	_ = 	snop;
	(pc) =	sbr.ind lr, $3  }
0x3a: {  	_ = 	snop  }
0x3b: {  	_ = 	snop  }
0x3c: {  	p2 =	seq.s32 s10, $0x1;
	s10 =	sld [smem:$0x3FB8]  }
0x3d: {  	_ =	shalt  }
0x3e: {  	_ =	shalt  }
0x3f: {  	_ =	shalt  }
0x40: {  	_ =	shalt  }
0x41: {  	_ =	shalt  }
0x42: {  	_ =	shalt  }
0x43: {  	_ =	shalt  }
0x44: {  	_ =	shalt  }
0x45: {  	_ =	shalt  }
0x46: {  	_ =	shalt  }
0x47: {  	_ =	shalt  }
0x48: {  	_ =	shalt  }
0x49: {  	_ =	shalt  }
0x4a: {  	_ =	shalt  }
0x4b: {  	_ =	shalt  }
0x4c: {  	_ =	shalt  }
0x4d: {  	_ =	shalt  }
0x4e: {  	_ =	shalt  }
0x4f: {  	_ =	shalt  }
0x50: {  	_ =	shalt  }
0x51: {  	_ =	shalt  }
0x52: {  	_ =	shalt  }
0x53: {  	_ =	shalt  }
0x54: {  	_ =	shalt  }
0x55: {  	_ =	shalt  }
0x56: {  	_ =	shalt  }
0x57: {  	_ =	shalt  }
0x58: {  	_ =	shalt  }
0x59: {  	_ =	shalt  }
0x5a: {  	_ =	shalt  }
0x5b: {  	_ =	shalt  }
0x5c: {  	_ =	shalt  }
0x5d: {  	_ =	shalt  }
0x5e: {  	_ =	shalt  }
0x5f: {  	_ =	shalt  }
0x60: {  	_ =	shalt  }
0x61: {  	_ =	shalt  }
0x62: {  	_ =	shalt  }
0x63: {  	_ =	shalt  }
0x64: {  	_ =	shalt  }
0x65: {  	_ =	shalt  }
0x66: {  	_ =	shalt  }
0x67: {  	_ =	shalt  }
0x68: {  	_ =	shalt  }
0x69: {  	_ =	shalt  }
0x6a: {  	_ =	shalt  }
0x6b: {  	_ =	shalt  }
0x6c: {  	_ =	shalt  }
0x6d: {  	_ =	shalt  }
0x6e: {  	_ =	shalt  }
0x6f: {  	_ =	shalt  }
0x70: {  	_ =	shalt  }
0x71: {  	_ =	shalt  }
0x72: {  	_ =	shalt  }
0x73: {  	_ =	shalt  }
0x74: {  	_ =	shalt  }
0x75: {  	_ =	shalt  }
0x76: {  	_ =	shalt  }
0x77: {  	_ =	shalt  }
0x78: {  	_ =	shalt  }
0x79: {  	_ =	shalt  }
0x7a: {  	_ =	shalt  }
0x7b: {  	_ =	shalt  }
0x7c: {  	_ =	shalt  }
0x7d: {  	_ =	shalt  }
0x7e: {  	_ =	shalt  }
0x7f: {  	_ =	shalt  }
0x80: {  	_ =	shalt  }
0x81: {  	_ =	shalt  }
0x82: {  	_ =	shalt  }
0x83: {  	_ =	shalt  }
0x84: {  	_ =	shalt  }
0x85: {  	_ =	shalt  }
0x86: {  	_ =	shalt  }
0x87: {  	_ =	shalt  }
.Lfunc_end0:
.L_simem_size_0:
called_computation_lowered:
.L_overlay_start_0:
0x88: {  	s2 =	sld [smem:$0x3FD9]  }
0x89: {  	s3 =	sld [smem:$0x3FFE];
	_ =	sdelay $0x1  }
0x8a: {  	s1 =	srdreg.scid  }
0x8b: {  	s0 =	sand.u32 $0x1, s1  }
0x8c: {  	s17 =	sshll.u32 s0, $0xA;
	s2 =	sadd.s32 s3, s2  }
0x8d: {  	s2 =	sadd.s32 s2, s17  }
0x8e: {  	[smem:$0x3FC4] =	sst s2  }
0x8f: {  	_ = 	snop  }
0x90: {  	s2 =	sld [smem:$0x3FD0];
	(tm) =	ssettm $0x1  }
0x91: {  	s18 =	sld [smem:$0x3FFB];
	_ =	sdelay $0x3  }
0x92: {  	_ =	strace s18  }
0x93: {  	s3 =	sld [smem:$0x3FFC];
	_ =	sdelay $0x3  }
0x94: {  	_ =	strace s3  }
0x95: {  	s3 =	sld [smem:$0x3FFD];
	_ =	sdelay $0x3  }
0x96: {  	_ =	strace s3  }
0x97: {  	_ =	strace $0x8FFFFFFF  }
0x98: {  	s19 =	sld [smem:$0x3FDB];
	_ =	sdelay $0x1  }
0x99: {  	s4 =	simm.s32 $_scs_section_size  }
0x9a: {  	s5 =	simm.s32 $_size__tile_overlayer_lowered;
	s6 =	simm.s32 $_tile_overlayer_lowered  }
0x9b: {  	s22 =	simm.s32 $0x1BFF;
	s21 =	sshll.u32 s6, $0x1;
	s3 =	sadd.s32 s4, s19  }
0x9c: {  	s7 =	simm.s32 $0x0;
	s20 =	sshll.u32 s5, $0x1;
	s5 =	sadd.s32 s21, s3  }
0x9d: {  	[timem:s7], [sflag:s22] =	dma.local [hbm:s5], s20  }
0x9e: {  	_ =	swait.ge [sflag:s22], s20  }
0x9f: {  	s4 =	ssub.s32 $0x0, s20;
	[sflag:s22] =	ssyncset.done $0x0  }
0xa0: {  	[sflag:s22] =	ssyncadd.s32 s4;
	_ =	sdelay $0x1  }
0xa1: {  	s23 =	simm.s32 $0x1B8B  }
0xa2: {  	_ =	swait.ge [sflag:s23], $0x1  }
0xa3: {  	[sflag:s23] =	ssyncset.done $0x0  }
0xa4: {  	s25 =	simm.s32 $0x1B8E;
	s24 =	sld [smem:$0x3FFE];
	[sflag:s23] =	ssyncadd.s32 $0xFFFFFFFF  }
0xa5: {  	s26 =	simm.s32 $execute0_lowered;
	[smem:$0x3FD2] =	sst s25  }
0xa6: {  	s5 =	sshll.u32 s26, $0x1;
	_ =	strace $0x80000046;
	[dreg:$0x1] =	wrdreg $0xFFFFFFFF  }
0xa7: {  	s28 =	simm.s32 $_size_execute0_lowered;
	s3 =	sadd.s32 s3, s5;
	[dreg:$0x0] =	wrdreg $0x0  }
0xa8: {  	s5 =	sshll.u32 s28, $0x1;
	[dreg:$0x2] =	wrdreg s3  }
0xa9: {  	[dreg:$0x3] =	wrdreg s5  }
0xaa: {  	[dreg:$0x4] =	wrdreg $0xC0  }
0xab: {  	_ =	task [dreg:s7], $0x5FFFF  }
0xac: {  	[dreg:$0x1] =	wrdreg $0xFFFFFFFF  }
0xad: {  	[dreg:$0x0] =	wrdreg $0x60  }
0xae: {  	[dreg:$0x2] =	wrdreg s24  }
0xaf: {  	[dreg:$0x3] =	wrdreg s2  }
0xb0: {  	[dreg:$0x4] =	wrdreg $0x9  }
0xb1: {  	_ =	task.clear_ibuf [dreg:s7], $0x5FFFF;
	_ =	strace $0x90000046  }
0xb2: {  	s29 =	simm.s32 $0x9;
	_ =	strace $0x80000048  }
0xb3: {  	_ =	swait.ge [sflag:s29], $0x1  }
0xb4: {  	[sflag:s29] =	ssyncadd.s32 $0xFFFFFFFF  }
0xb5: {  	_ =	strace $0x90000048  }
0xb6: {  	_ =	sfence  }
0xb7: {  	s30 =	sld [smem:$0x0];
	_ =	sdelay $0x2  }
0xb8: {  	s31 =	sshll.u32 s1, $0xD;
	s1 =	sshrl.u32 s1, $0x2  }
0xb9: {  	s3 =	sand.u32 $0x4000, s31;
	s1 =	sadd.s32 s1, s30  }
0xba: {  	s0 =	sor.u32 s3, s0;
	s1 =	sshll.u32 s1, $0x11  }
0xbb: {  	s0 =	sor.u32 s1, s0  }
0xbc: {  	s0 =	sadd.s32 $0x8F2B, s0  }
0xbd: {  	[sflag:s0] =	ssyncadd.remote.s32 $0x1  }
0xbe: {  	_ =	sfence.sel $0xFFFF  }
0xbf: {  	[dreg:$0x0] =	wrdreg $0xFFFFFFFF;
	(pc) =	sbr.abs _section_cstart, $3  }
0xc0: {  	[dreg:$0x1] =	wrdreg $0xFFFFFFFF  }
0xc1: {  	_ =	task.clear_ibuf [dreg:s7], $0x2FFFF;
	_ =	strace $0x9FFFFFFF  }
0xc2: {  	(tm) =	ssettm $0x7FFFFFFF  }
0xc3: {  	_ =	shalt  }
tec
execute0_lowered:
.L_overlay_start_1:
0x0: {  	(tag) =	ssettag $0x1  }
0x1: {  	s0 =	srdreg.scid;
	s3 =	rddreg [dreg:$0x0]  }
0x2: {  	s9 =	stileid.u32;
	s8 =	rddreg [dreg:$0x1];
	s12 =	simm.s32 $0x80  }
0x3: {  	s14 =	simm.s32 $0xB;
	s15 =	simm.s32 $0x1900;
	s16 =	simm.s32 $0x5900  }
0x4: {  	s18 =	simm.s32 $0x9900;
	s19 =	simm.s32 $0x1;
	s21 =	simm.s32 $0xD900  }
0x5: {  	s22 =	simm.s32 $0x2;
	s28 =	simm.s32 $0x4;
	s29 =	simm.s32 $0x7  }
0x6: {  	s30 =	simm.s32 $0x5;
	s31 =	simm.s32 $0x8;
	s0 =	sand.u32 $0x1, s0  }
0x7: {  	s1 =	sshll.u32 s9, $0x1;
	s2 =	sshrl.u32 s9, $0x2;
	s9 =	smul.u32 $0x32000, s9  }
0x8: {  	s13 =	simm.s32 $0x0;
	s1 =	sor.u32 s0, s1;
	s4 =	smul.u32 $0xC800, s2  }
0x9: {  	s2 =	simm.s32 $0x0;
	s24 =	ssub.s32 $0x2, s0;
	s0 =	smul.u32 $0x19000, s0  }
0xa: {  	s5 =	sshll.u32 s1, $0x7;
	[smem:$0x7FF] =	sst s2;
	s7 =	smul.u32 $0xC8000, s1  }
0xb: {  	s6 =	sshrl.u32 s24, $0x1;
	s1 =	smul.u32 $0x19000, s1;
	s11 =	sadd.s32 s9, s8  }
0xc: {  	s5 =	sand.u32 $0x380, s5;
	_ =	strace $0x80000047;
	s10 =	ssub.s32 s24, s6  }
0xd: {  	s0 =	sadd.s32 s0, s11;
	s24 =	simm.s32 $0x11900;
	s4 =	sor.u32 s4, s5  }
0xe: {  	s25 =	sshrl.u32 s7, $0x3;
	s5 =	sadd.s32 s8, s1;
	s10 =	smax.u32 s10, $0x1  }
0xf: {  	s11 =	sadd.s32 $0x1800, s0;
	s1 =	simm.s32 $0x9;
	s0 =	simm.s32 $0xA  }
0x10: {  	s4 =	sshrl.u32 s4, $0x3;
	s26 =	sadd.s32 s8, s25;
	s6 =	sadd.s32 $0x800, s5  }
0x11: {  	s25 =	simm.s32 $0x3;
	s4 =	sadd.s32 s4, s3;
	s3 =	sadd.s32 $0x6C00, s3  }
0x12: {  	s7 =	sadd.s32 $0x17800, s26;
	s8 =	sadd.s32 $0x18000, s26;
	s4 =	sadd.s32 $0x800, s4  }
0x13: {  	s9 =	sadd.s32 $0x18800, s26;
	s26 =	simm.s32 $0x6;
	[dreg:$0x3] =	wrdreg s4  }
.LBB2_1:
0x14: {  	s4 =	rddreg [dreg:$0x3];
	s17 =	simm.s32 $0x400  }
0x15: {  	[tilespmem:s2], [sflag:$0xB] =	stream.strided.gather [hbm4b:s4+s12], $0x1900, s17, s12, $0x38;
	[tilespmem:$0x15900] =	vst v63  }
0x16: {  	_ =	swait.ge [sflag:s14], $0x1900  }
0x17: {  	[sflag:s14] =	ssyncset.done $0x0  }
0x18: {  	[sflag:s14] =	ssyncadd.s32 $0xFFFFE700  }
0x19: {  	[tilespmem:s15], [sflag:$0x1] =	stream.indirect.gather [hbm4b:s3+s12], $0x80, s2, s12, $0xb8;
	[tilespmem:$0x15900] =	vst v63  }
0x1a: {  	_ = 	snop  }
0x1b: {  	[tilespmem:s16], [sflag:$0x2] =	stream.indirect.gather [hbm4b:s3+s12], $0x80, s12, s12, $0xb8;
	[tilespmem:$0x15900] =	vst v63  }
0x1c: {  	s20 =	simm.s32 $0x100  }
0x1d: {  	[tilespmem:s18], [sflag:$0x3] =	stream.indirect.gather [hbm4b:s3+s12], $0x80, s20, s12, $0xb8;
	[tilespmem:$0x15900] =	vst v63  }
0x1e: {  	_ =	swait.ge [sflag:s19], $0x4000  }
0x1f: {  	[sflag:s19] =	ssyncset.done $0x0  }
0x20: {  	[sflag:s19] =	ssyncadd.s32 $0xFFFFC000  }
0x21: {  	[hbm4b:s5+s2] =	stream.linear.scatter [tilespmem:s15], [sflag:$0x6], $0x4000, $0x38;
	[tilespmem:$0x15900] =	vst v63  }
0x22: {  	s23 =	simm.s32 $0x180  }
0x23: {  	[tilespmem:s21], [sflag:$0x4] =	stream.indirect.gather [hbm4b:s3+s12], $0x80, s23, s12, $0xb8;
	[tilespmem:$0x15900] =	vst v63  }
0x24: {  	_ =	swait.ge [sflag:s22], $0x4000  }
0x25: {  	[sflag:s22] =	ssyncset.done $0x0  }
0x26: {  	[sflag:s22] =	ssyncadd.s32 $0xFFFFC000  }
0x27: {  	[hbm4b:s6+s2] =	stream.linear.scatter [tilespmem:s16], [sflag:$0x7], $0x4000, $0x38;
	[tilespmem:$0x15900] =	vst v63  }
0x28: {  	s17 =	simm.s32 $0x200  }
0x29: {  	[tilespmem:s24], [sflag:$0x5] =	stream.indirect.gather [hbm4b:s3+s12], $0x80, s17, s12, $0xb8;
	[tilespmem:$0x15900] =	vst v63  }
0x2a: {  	_ =	swait.ge [sflag:s25], $0x4000  }
0x2b: {  	[sflag:s25] =	ssyncset.done $0x0  }
0x2c: {  	s20 =	sadd.s32 $0xFFFFF800, s11;
	[sflag:s25] =	ssyncadd.s32 $0xFFFFC000  }
0x2d: {  	[hbm4b:s20+s2] =	stream.linear.scatter [tilespmem:s18], [sflag:$0x8], $0x4000, $0x38;
	[tilespmem:$0x15900] =	vst v63  }
0x2e: {  	_ =	swait.ge [sflag:s26], $0x4000  }
0x2f: {  	[sflag:s26] =	ssyncset.done $0x0  }
0x30: {  	s23 =	simm.s32 $0x280;
	[sflag:s26] =	ssyncadd.s32 $0xFFFFC000  }
0x31: {  	[tilespmem:s15], [sflag:$0x1] =	stream.indirect.gather [hbm4b:s3+s12], $0x80, s23, s12, $0xb8;
	[tilespmem:$0x15900] =	vst v63  }
0x32: {  	_ =	swait.ge [sflag:s28], $0x4000  }
0x33: {  	[sflag:s28] =	ssyncset.done $0x0  }
0x34: {  	[sflag:s28] =	ssyncadd.s32 $0xFFFFC000  }
0x35: {  	[hbm4b:s11+s2] =	stream.linear.scatter [tilespmem:s21], [sflag:$0x9], $0x4000, $0x38;
	[tilespmem:$0x15900] =	vst v63  }
0x36: {  	_ =	swait.ge [sflag:s29], $0x4000  }
0x37: {  	[sflag:s29] =	ssyncset.done $0x0  }
0x38: {  	s4 =	simm.s32 $0x300;
	[sflag:s29] =	ssyncadd.s32 $0xFFFFC000  }
0x39: {  	[tilespmem:s16], [sflag:$0x2] =	stream.indirect.gather [hbm4b:s3+s12], $0x80, s4, s12, $0xb8;
	[tilespmem:$0x15900] =	vst v63  }
0x3a: {  	_ =	swait.ge [sflag:s30], $0x4000  }
0x3b: {  	[sflag:s30] =	ssyncset.done $0x0  }
0x3c: {  	s20 =	sadd.s32 $0x800, s11;
	[sflag:s30] =	ssyncadd.s32 $0xFFFFC000  }
0x3d: {  	[hbm4b:s20+s2] =	stream.linear.scatter [tilespmem:s24], [sflag:$0xA], $0x4000, $0x38;
	[tilespmem:$0x15900] =	vst v63  }
0x3e: {  	_ =	swait.ge [sflag:s31], $0x4000  }
0x3f: {  	[sflag:s31] =	ssyncset.done $0x0  }
0x40: {  	s23 =	simm.s32 $0x380;
	[sflag:s31] =	ssyncadd.s32 $0xFFFFC000  }
0x41: {  	[tilespmem:s18], [sflag:$0x3] =	stream.indirect.gather [hbm4b:s3+s12], $0x80, s23, s12, $0xb8;
	[tilespmem:$0x15900] =	vst v63  }
0x42: {  	_ =	swait.ge [sflag:s19], $0x4000  }
0x43: {  	[sflag:s19] =	ssyncset.done $0x0  }
0x44: {  	s4 =	sadd.s32 $0x1000, s11;
	[sflag:s19] =	ssyncadd.s32 $0xFFFFC000  }
0x45: {  	[hbm4b:s4+s2] =	stream.linear.scatter [tilespmem:s15], [sflag:$0x6], $0x4000, $0x38;
	[tilespmem:$0x15900] =	vst v63  }
0x46: {  	_ =	swait.ge [sflag:s1], $0x4000  }
0x47: {  	[sflag:s1] =	ssyncset.done $0x0  }
0x48: {  	s20 =	simm.s32 $0x400;
	[sflag:s1] =	ssyncadd.s32 $0xFFFFC000  }
0x49: {  	[tilespmem:s21], [sflag:$0x4] =	stream.indirect.gather [hbm4b:s3+s12], $0x80, s20, s12, $0xb8;
	[tilespmem:$0x15900] =	vst v63  }
0x4a: {  	_ =	swait.ge [sflag:s22], $0x4000  }
0x4b: {  	[sflag:s22] =	ssyncset.done $0x0  }
0x4c: {  	s23 =	sadd.s32 $0x1800, s11;
	[sflag:s22] =	ssyncadd.s32 $0xFFFFC000  }
0x4d: {  	[hbm4b:s23+s2] =	stream.linear.scatter [tilespmem:s16], [sflag:$0x7], $0x4000, $0x38;
	[tilespmem:$0x15900] =	vst v63  }
0x4e: {  	_ =	swait.ge [sflag:s0], $0x4000  }
0x4f: {  	s17 =	simm.s32 $0xA00;
	[sflag:s0] =	ssyncset.done $0x0  }
0x50: {  	s20 =	sadd.s32 $0x2800, s11;
	s23 =	simm.s32 $0x480;
	[sflag:s0] =	ssyncadd.s32 $0xFFFFC000  }
.LBB2_2:
0x51: {  	[tilespmem:s24], [sflag:$0x5] =	stream.indirect.gather [hbm4b:s3+s12], $0x80, s23, s12, $0xb8;
	[tilespmem:$0x15900] =	vst v63  }
0x52: {  	s23 =	smov.u32 s17  }
0x53: {  	p0 =	sne.s32 s17, $0x5000;
	s17 =	sadd.s32 $0xA00, s17;
	_ =	swait.ge [sflag:s25], $0x4000  }
0x54: {  	[sflag:s25] =	ssyncset.done $0x0  }
0x55: {  	s4 =	sadd.s32 $0xFFFFF800, s20;
	[sflag:s25] =	ssyncadd.s32 $0xFFFFC000  }
0x56: {  	[hbm4b:s4+s2] =	stream.linear.scatter [tilespmem:s18], [sflag:$0x8], $0x4000, $0x38;
	[tilespmem:$0x15900] =	vst v63  }
0x57: {  	_ =	swait.ge [sflag:s26], $0x4000  }
0x58: {  	s23 =	sshra.s32 s23, $0x2;
	[sflag:s26] =	ssyncset.done $0x0  }
0x59: {  	s4 =	sadd.s32 $0x280, s23;
	[sflag:s26] =	ssyncadd.s32 $0xFFFFC000  }
0x5a: {  	[tilespmem:s15], [sflag:$0x1] =	stream.indirect.gather [hbm4b:s3+s12], $0x80, s4, s12, $0xb8;
	[tilespmem:$0x15900] =	vst v63  }
0x5b: {  	_ =	swait.ge [sflag:s28], $0x4000  }
0x5c: {  	[sflag:s28] =	ssyncset.done $0x0  }
0x5d: {  	[sflag:s28] =	ssyncadd.s32 $0xFFFFC000  }
0x5e: {  	[hbm4b:s20+s2] =	stream.linear.scatter [tilespmem:s21], [sflag:$0x9], $0x4000, $0x38;
	[tilespmem:$0x15900] =	vst v63  }
0x5f: {  	_ =	swait.ge [sflag:s29], $0x4000  }
0x60: {  	[sflag:s29] =	ssyncset.done $0x0  }
0x61: {  	s4 =	sadd.s32 $0x300, s23;
	[sflag:s29] =	ssyncadd.s32 $0xFFFFC000  }
0x62: {  	[tilespmem:s16], [sflag:$0x2] =	stream.indirect.gather [hbm4b:s3+s12], $0x80, s4, s12, $0xb8;
	[tilespmem:$0x15900] =	vst v63  }
0x63: {  	_ =	swait.ge [sflag:s30], $0x4000  }
0x64: {  	[sflag:s30] =	ssyncset.done $0x0  }
0x65: {  	s4 =	sadd.s32 $0x800, s20;
	[sflag:s30] =	ssyncadd.s32 $0xFFFFC000  }
0x66: {  	[hbm4b:s4+s2] =	stream.linear.scatter [tilespmem:s24], [sflag:$0xA], $0x4000, $0x38;
	[tilespmem:$0x15900] =	vst v63  }
0x67: {  	_ =	swait.ge [sflag:s31], $0x4000  }
0x68: {  	[sflag:s31] =	ssyncset.done $0x0  }
0x69: {  	s4 =	sadd.s32 $0x380, s23;
	[sflag:s31] =	ssyncadd.s32 $0xFFFFC000  }
0x6a: {  	[tilespmem:s18], [sflag:$0x3] =	stream.indirect.gather [hbm4b:s3+s12], $0x80, s4, s12, $0xb8;
	[tilespmem:$0x15900] =	vst v63  }
0x6b: {  	_ =	swait.ge [sflag:s19], $0x4000  }
0x6c: {  	[sflag:s19] =	ssyncset.done $0x0  }
0x6d: {  	s4 =	sadd.s32 $0x1000, s20;
	[sflag:s19] =	ssyncadd.s32 $0xFFFFC000  }
0x6e: {  	[hbm4b:s4+s2] =	stream.linear.scatter [tilespmem:s15], [sflag:$0x6], $0x4000, $0x38;
	[tilespmem:$0x15900] =	vst v63  }
0x6f: {  	_ =	swait.ge [sflag:s1], $0x4000  }
0x70: {  	[sflag:s1] =	ssyncset.done $0x0  }
0x71: {  	s4 =	sadd.s32 $0x400, s23;
	[sflag:s1] =	ssyncadd.s32 $0xFFFFC000  }
0x72: {  	[tilespmem:s21], [sflag:$0x4] =	stream.indirect.gather [hbm4b:s3+s12], $0x80, s4, s12, $0xb8;
	[tilespmem:$0x15900] =	vst v63  }
0x73: {  	_ =	swait.ge [sflag:s22], $0x4000  }
0x74: {  	[sflag:s22] =	ssyncset.done $0x0  }
.Ltmp0:
0x75: {  	s4 =	sadd.s32 $0x1800, s20;
	[sflag:s22] =	ssyncadd.s32 $0xFFFFC000;
	(pc) =	sbr.rel @p0 .LBB2_2-.Ltmp0, $4  }
0x76: {  	[hbm4b:s4+s2] =	stream.linear.scatter [tilespmem:s16], [sflag:$0x7], $0x4000, $0x38;
	[tilespmem:$0x15900] =	vst v63  }
0x77: {  	_ =	swait.ge [sflag:s0], $0x4000  }
0x78: {  	[sflag:s0] =	ssyncset.done $0x0  }
0x79: {  	s23 =	sadd.s32 $0x480, s23;
	s20 =	sadd.s32 $0x2800, s20;
	[sflag:s0] =	ssyncadd.s32 $0xFFFFC000  }
0x7a: {  	[tilespmem:s24], [sflag:$0x5] =	stream.indirect.gather [hbm4b:s3+s12], $0x80, s23, s12, $0xb8;
	[tilespmem:$0x15900] =	vst v63  }
0x7b: {  	_ =	swait.ge [sflag:s25], $0x4000  }
0x7c: {  	[sflag:s25] =	ssyncset.done $0x0  }
0x7d: {  	[sflag:s25] =	ssyncadd.s32 $0xFFFFC000  }
0x7e: {  	[hbm4b:s7+s2] =	stream.linear.scatter [tilespmem:s18], [sflag:$0x8], $0x4000, $0x38;
	[tilespmem:$0x15900] =	vst v63  }
0x7f: {  	_ =	swait.ge [sflag:s28], $0x4000  }
0x80: {  	[sflag:s28] =	ssyncset.done $0x0  }
0x81: {  	[sflag:s28] =	ssyncadd.s32 $0xFFFFC000  }
0x82: {  	[hbm4b:s8+s2] =	stream.linear.scatter [tilespmem:s21], [sflag:$0x9], $0x4000, $0x38;
	[tilespmem:$0x15900] =	vst v63  }
0x83: {  	_ =	swait.ge [sflag:s30], $0x4000  }
0x84: {  	[sflag:s30] =	ssyncset.done $0x0  }
0x85: {  	[sflag:s30] =	ssyncadd.s32 $0xFFFFC000  }
0x86: {  	[hbm4b:s9+s2] =	stream.linear.scatter [tilespmem:s24], [sflag:$0xA], $0x4000, $0x38;
	[tilespmem:$0x15900] =	vst v63  }
0x87: {  	_ =	swait.ge [sflag:s26], $0x4000  }
0x88: {  	[sflag:s26] =	ssyncset.done $0x0  }
0x89: {  	[sflag:s26] =	ssyncadd.s32 $0xFFFFC000  }
0x8a: {  	_ =	swait.ge [sflag:s29], $0x4000  }
0x8b: {  	[sflag:s29] =	ssyncset.done $0x0  }
0x8c: {  	[sflag:s29] =	ssyncadd.s32 $0xFFFFC000  }
0x8d: {  	_ =	swait.ge [sflag:s31], $0x4000  }
0x8e: {  	[sflag:s31] =	ssyncset.done $0x0  }
0x8f: {  	s13 =	sadd.s32 $0x1, s13;
	[sflag:s31] =	ssyncadd.s32 $0xFFFFC000  }
0x90: {  	p0 =	sne.s32 s13, s10;
	_ =	swait.ge [sflag:s1], $0x4000  }
.Ltmp1:
0x91: {  	[sflag:s1] =	ssyncset.done $0x0;
	(pc) =	sbr.rel @p0 .LBB2_1-.Ltmp1, $4  }
0x92: {  	[sflag:s1] =	ssyncadd.s32 $0xFFFFC000  }
0x93: {  	_ =	swait.ge [sflag:s0], $0x4000  }
0x94: {  	[sflag:s0] =	ssyncset.done $0x0  }
0x95: {  	[sflag:s0] =	ssyncadd.s32 $0xFFFFC000  }
0x96: {  	_ =	sfence.sel $0x180000  }
0x97: {  	[bflag:$0x0] =	sbarrier.arrive $0xFFFF  }
0x98: {  	_ =	strace $0x90000047  }
0x99: {  	s0 =	stileid.u32;
	[bflag:$0x2] =	sbarrier.arrive $0xFFFF  }
0x9a: {  	p0 =	sne.s32 s0, $0x0;
	s0 =	rddreg [dreg:$0x2]  }
0x9b: {  	s0 =	sadd.s32 @!p0 $0x100000, s0  }
0x9c: {  	[sflag:s0] =	ssyncadd.tile.s32 @!p0 $0x1;
	_ =	shalt  }
.Lfunc_end2:
_tile_overlayer_lowered:
.L_overlay_start_2:
0x9d: {  	(tag) =	ssettag $0x2  }
0x9e: {  	s0 =	rddreg [dreg:$0x0];
	s2 =	stileid.u32  }
0x9f: {  	s1 =	rddreg [dreg:$0x1];
	p0 =	sne.s32 s2, $0x0  }
0xa0: {  	s3 =	rddreg [dreg:$0x2];
	[bflag:$0x3] =	sbarrier.arrive $0xFFFF;
	s2 =	simm.s32 @!p0 $0x1C0B  }
0xa1: {  	[timem:s3], [sflag:s2] =	dma.local @!p0 [hbm:s0], s1  }
0xa2: {  	s0 =	simm.s32 @!p0 $0xB  }
0xa3: {  	_ =	swait.ge @!p0 [sflag:s0], s1  }
0xa4: {  	s1 =	ssub.s32 @!p0 $0x0, s1;
	[sflag:s0] =	ssyncset.done @!p0 $0x0  }
0xa5: {  	[sflag:s0] =	ssyncadd.s32 @!p0 s1  }
0xa6: {  	[bflag:$0x3] =	sbarrier.arrive $0xFFFF  }
0xa7: {  	_ =	shalt  }

</sc_bundles>
